<compile_context>
chip_gen: v7x
topology: tpu7x:2x2x1
jax: 0.10.2.dev20260603
libtpu: 0.0.44.dev20260713+nightly
codegen_flags: <defaults>
</compile_context>

<pallas_src>
import functools

import jax
import jax.numpy as jnp
from jax.experimental import pallas as pl
from jax.experimental.pallas import tpu as pltpu


def _unary_kernel(xt_ref, out_ref, *, L, Cb):
    c0 = pl.program_id(0) * Cb
    xt = xt_ref[...]
    Bb = xt.shape[1]
    ci = jax.lax.broadcasted_iota(jnp.int32, (Cb, L, Bb), 0) + c0
    ii = jax.lax.broadcasted_iota(jnp.int32, (Cb, L, Bb), 1)
    out_ref[...] = ((ci == ii) | (ci - L == xt[None, :, :])).astype(jnp.float32)


def _binary_kernel(xi_ref, xt_ref, out_ref, *, L, Ib):
    i0 = pl.program_id(0) * Ib
    xi = xi_ref[...]
    xt = xt_ref[...]
    Bb = xt.shape[1]
    kk = jax.lax.broadcasted_iota(jnp.int32, (Ib, L - 1, Bb), 1)
    ii = jax.lax.broadcasted_iota(jnp.int32, (Ib, L - 1, Bb), 0) + i0
    xk0 = xt[None, : L - 1, :]
    xk1 = xt[None, 1:L, :]
    xj = jnp.where(kk < ii, xk0, xk1)
    out_ref[...] = (xi[:, None, :] == xj).astype(jnp.float32)


@jax.jit
def _run(inputs):
    B, L = inputs.shape
    S1 = 101
    C = L + S1
    xt = inputs.T
    params = pltpu.CompilerParams(dimension_semantics=("arbitrary",))

    Cb = 8
    unary_t = pl.pallas_call(
        functools.partial(_unary_kernel, L=L, Cb=Cb),
        grid=(pl.cdiv(C, Cb),),
        in_specs=[pl.BlockSpec((L, B), lambda c: (0, 0))],
        out_specs=pl.BlockSpec((Cb, L, B), lambda c: (c, 0, 0)),
        out_shape=jax.ShapeDtypeStruct((C, L, B), jnp.float32),
        compiler_params=params,
    )(xt)

    Ib = 8
    binary_t = pl.pallas_call(
        functools.partial(_binary_kernel, L=L, Ib=Ib),
        grid=(pl.cdiv(L, Ib),),
        in_specs=[
            pl.BlockSpec((Ib, B), lambda i: (i, 0)),
            pl.BlockSpec((L, B), lambda i: (0, 0)),
        ],
        out_specs=pl.BlockSpec((Ib, L - 1, B), lambda i: (i, 0, 0)),
        out_shape=jax.ShapeDtypeStruct((L, L - 1, B), jnp.float32),
        compiler_params=params,
    )(xt, xt)

    unary = jnp.transpose(unary_t, (2, 1, 0))
    binary = jnp.transpose(binary_t, (2, 0, 1))[..., None]
    return unary, binary


def kernel(inputs, table):
    del table
    return _run(inputs)

# --- scband reference (transcript-rebuilt; emitter-appended) ---
"""Pipeline reference for scband-one-hot-categorical-sequence-input-17059610100191 (READ-ONLY COPY).

The authoritative reference and input builder live on the scoring server;
editing this copy changes nothing except your own understanding.
"""

import jax, jax.numpy as jnp
import numpy as np

NUM_SYMBOLS = 100
B, L = 1024, 200


def setup_inputs(seed: int = 0) -> dict:
    key = jax.random.key(seed)
    inputs = jax.random.randint(key, (B, L), 0, NUM_SYMBOLS + 1, dtype=jnp.int32)
    # Frozen embedding table: identity matrix (one-hot lookup), weights=[tf.eye(1+num_symbols)]
    table = jnp.eye(NUM_SYMBOLS + 1, dtype=jnp.float32)
    return {"inputs": inputs, "table": table}


def reference(inputs, table):
    Bs, Ls = inputs.shape
    # unary positional one-hot: eye(L) repeated over batch
    neye = jnp.eye(Ls, dtype=jnp.float32)
    unary_p_pos = jnp.broadcast_to(neye[None], (Bs, Ls, Ls))
    # embedding lookup -> one-hot symbol features [B, L, 1+S]
    unary_p_sym = jnp.take(table, inputs, axis=0)
    unary_ps = jnp.concatenate([unary_p_pos, unary_p_sym], axis=-1)
    # pairwise symbol-equality matrix [B, L, L]
    binary_eq_sym = jnp.matmul(unary_p_sym, jnp.swapaxes(unary_p_sym, -1, -2))
    # gather off-diagonal entries: for each i, the L-1 columns j != i, row-major order
    mask = (1 - np.eye(Ls)).astype(bool)
    jall = np.broadcast_to(np.arange(Ls), (Ls, Ls))
    j_idx = jnp.asarray(jall[mask].reshape(Ls, Ls - 1))
    gather_idx = jnp.broadcast_to(j_idx[None], (Bs, Ls, Ls - 1))
    binary_ps = jnp.take_along_axis(binary_eq_sym, gather_idx, axis=2)[..., None]
    return (unary_ps, binary_ps)

if __name__ == "__main__":
    import jax
    _d = setup_inputs()
    print(jax.jit(kernel)(*tuple(_d.values())))

</pallas_src>

<mosaic_0001>
module attributes {stable_mosaic.version = 14 : i64} {
  func.func @_binary_kernel(%arg0: i32, %arg1: memref<8x1024xi32, #tpu.memory_space<vmem>>, %arg2: memref<200x1024xi32, #tpu.memory_space<vmem>>, %arg3: memref<8x199x1024xf32, #tpu.memory_space<vmem>>) attributes {dimension_semantics = [#tpu.dimension_semantics<arbitrary>], iteration_bounds = array<i64: 25>, scalar_prefetch = 0 : i64, scratch_operands = 0 : i64, tpu.core_type = #tpu.core_type<tc>, window_params = [{transform_indices = @transform_0, window_bounds = array<i64: 8, 1024>}, {pipeline_mode = #tpu.pipeline_mode<synchronous>, transform_indices = @transform_1, window_bounds = array<i64: 200, 1024>}, {transform_indices = @transform_2, window_bounds = array<i64: 8, 199, 1024>}]} {
    %mul3A = arith.constant 8 : i32
    %mul3A_0 = arith.muli %arg0, %mul3A : i32
    %get3A = arith.constant 0 : index
    %get3A_1 = arith.constant 0 : index
    %get3A_2 = vector.load %arg1[%get3A, %get3A_1] : memref<8x1024xi32, #tpu.memory_space<vmem>>, vector<8x1024xi32>
    %get3A_3 = arith.constant 0 : index
    %get3A_4 = arith.constant 0 : index
    %get3A_5 = vector.load %arg2[%get3A_3, %get3A_4] : memref<200x1024xi32, #tpu.memory_space<vmem>>, vector<200x1024xi32>
    %iota3A = tpu.iota {dimensions = array<i32: 1>} : vector<8x199x1024xi32>
    %iota3A_6 = tpu.iota {dimensions = array<i32: 0>} : vector<8x199x1024xi32>
    %add3A = vector.broadcast %mul3A_0 : i32 to vector<8x199x1024xi32>
    %add3A_7 = arith.addi %iota3A_6, %add3A : vector<8x199x1024xi32>
    %slice3A = vector.extract_strided_slice %get3A_5 {offsets = [0, 0], sizes = [199, 1024], strides = [1, 1]} : vector<200x1024xi32> to vector<199x1024xi32>
    %broadcast_in_dim3A = vector.shape_cast %slice3A : vector<199x1024xi32> to vector<1x199x1024xi32>
    %slice3A_8 = vector.extract_strided_slice %get3A_5 {offsets = [1, 0], sizes = [199, 1024], strides = [1, 1]} : vector<200x1024xi32> to vector<199x1024xi32>
    %broadcast_in_dim3A_9 = vector.shape_cast %slice3A_8 : vector<199x1024xi32> to vector<1x199x1024xi32>
    %lt3A = arith.cmpi slt, %iota3A, %add3A_7 : vector<8x199x1024xi32>
    %broadcast_in_dim3A_10 = vector.shape_cast %broadcast_in_dim3A : vector<1x199x1024xi32> to vector<1x199x1024xi32>
    %broadcast_in_dim3A_11 = vector.broadcast %broadcast_in_dim3A_10 : vector<1x199x1024xi32> to vector<8x199x1024xi32>
    %broadcast_in_dim3A_12 = vector.shape_cast %broadcast_in_dim3A_9 : vector<1x199x1024xi32> to vector<1x199x1024xi32>
    %broadcast_in_dim3A_13 = vector.broadcast %broadcast_in_dim3A_12 : vector<1x199x1024xi32> to vector<8x199x1024xi32>
    %select_n3A = arith.select %lt3A, %broadcast_in_dim3A_11, %broadcast_in_dim3A_13 : vector<8x199x1024xi1>, vector<8x199x1024xi32>
    %broadcast_in_dim3A_14 = vector.shape_cast %get3A_2 : vector<8x1024xi32> to vector<8x1x1024xi32>
    %eq3A = vector.broadcast %broadcast_in_dim3A_14 : vector<8x1x1024xi32> to vector<8x199x1024xi32>
    %eq3A_15 = arith.cmpi eq, %eq3A, %select_n3A : vector<8x199x1024xi32>
    %convert_element_type3A = arith.extui %eq3A_15 : vector<8x199x1024xi1> to vector<8x199x1024xi32>
    %convert_element_type3A_16 = arith.sitofp %convert_element_type3A : vector<8x199x1024xi32> to vector<8x199x1024xf32>
    %swap3A = arith.constant 0 : index
    %swap3A_17 = arith.constant 0 : index
    %swap3A_18 = arith.constant 0 : index
    %swap3A_19 = vector.load %arg3[%swap3A, %swap3A_17, %swap3A_18] : memref<8x199x1024xf32, #tpu.memory_space<vmem>>, vector<8x199x1024xf32>
    tpu.vector_store %arg3[%swap3A, %swap3A_17, %swap3A_18], %convert_element_type3A_16 {strides = array<i32>} : memref<8x199x1024xf32, #tpu.memory_space<vmem>>, vector<8x199x1024xf32>,
    return
  }
  func.func @transform_0(%arg0: i32) -> (i32, i32) {
    %c0_i32 = arith.constant 0 : i32
    %c0_i32_0 = arith.constant 0 : i32
    return %arg0, %c0_i32 : i32, i32
  }
  func.func @transform_1(%arg0: i32) -> (i32, i32) {
    %c0_i32 = arith.constant 0 : i32
    %c0_i32_0 = arith.constant 0 : i32
    %c0_i32_1 = arith.constant 0 : i32
    return %c0_i32, %c0_i32_0 : i32, i32
  }
  func.func @transform_2(%arg0: i32) -> (i32, i32, i32) {
    %c0_i32 = arith.constant 0 : i32
    %c0_i32_0 = arith.constant 0 : i32
    %c0_i32_1 = arith.constant 0 : i32
    return %arg0, %c0_i32, %c0_i32_0 : i32, i32, i32
  }
}

module attributes {stable_mosaic.version = 14 : i64} {
  func.func @_unary_kernel(%arg0: i32, %arg1: memref<200x1024xi32, #tpu.memory_space<vmem>>, %arg2: memref<8x200x1024xf32, #tpu.memory_space<vmem>>) attributes {dimension_semantics = [#tpu.dimension_semantics<arbitrary>], iteration_bounds = array<i64: 38>, scalar_prefetch = 0 : i64, scratch_operands = 0 : i64, tpu.core_type = #tpu.core_type<tc>, window_params = [{pipeline_mode = #tpu.pipeline_mode<synchronous>, transform_indices = @transform_0, window_bounds = array<i64: 200, 1024>}, {transform_indices = @transform_1, window_bounds = array<i64: 8, 200, 1024>}]} {
    %mul3A = arith.constant 8 : i32
    %mul3A_0 = arith.muli %arg0, %mul3A : i32
    %get3A = arith.constant 0 : index
    %get3A_1 = arith.constant 0 : index
    %get3A_2 = vector.load %arg1[%get3A, %get3A_1] : memref<200x1024xi32, #tpu.memory_space<vmem>>, vector<200x1024xi32>
    %iota3A = tpu.iota {dimensions = array<i32: 0>} : vector<8x200x1024xi32>
    %add3A = vector.broadcast %mul3A_0 : i32 to vector<8x200x1024xi32>
    %add3A_3 = arith.addi %iota3A, %add3A : vector<8x200x1024xi32>
    %iota3A_4 = tpu.iota {dimensions = array<i32: 1>} : vector<8x200x1024xi32>
    %eq3A = arith.cmpi eq, %add3A_3, %iota3A_4 : vector<8x200x1024xi32>
    %sub3A = arith.constant 200 : i32
    %sub3A_5 = vector.broadcast %sub3A : i32 to vector<8x200x1024xi32>
    %sub3A_6 = arith.subi %add3A_3, %sub3A_5 : vector<8x200x1024xi32>
    %broadcast_in_dim3A = vector.shape_cast %get3A_2 : vector<200x1024xi32> to vector<1x200x1024xi32>
    %eq3A_7 = vector.broadcast %broadcast_in_dim3A : vector<1x200x1024xi32> to vector<8x200x1024xi32>
    %eq3A_8 = arith.cmpi eq, %sub3A_6, %eq3A_7 : vector<8x200x1024xi32>
    %or3A = arith.ori %eq3A, %eq3A_8 : vector<8x200x1024xi1>
    %convert_element_type3A = arith.extui %or3A : vector<8x200x1024xi1> to vector<8x200x1024xi32>
    %convert_element_type3A_9 = arith.sitofp %convert_element_type3A : vector<8x200x1024xi32> to vector<8x200x1024xf32>
    %swap3A = arith.constant 0 : index
    %swap3A_10 = arith.constant 0 : index
    %swap3A_11 = arith.constant 0 : index
    %swap3A_12 = vector.load %arg2[%swap3A, %swap3A_10, %swap3A_11] : memref<8x200x1024xf32, #tpu.memory_space<vmem>>, vector<8x200x1024xf32>
    tpu.vector_store %arg2[%swap3A, %swap3A_10, %swap3A_11], %convert_element_type3A_9 {strides = array<i32>} : memref<8x200x1024xf32, #tpu.memory_space<vmem>>, vector<8x200x1024xf32>,
    return
  }
  func.func @transform_0(%arg0: i32) -> (i32, i32) {
    %c0_i32 = arith.constant 0 : i32
    %c0_i32_0 = arith.constant 0 : i32
    %c0_i32_1 = arith.constant 0 : i32
    return %c0_i32, %c0_i32_0 : i32, i32
  }
  func.func @transform_1(%arg0: i32) -> (i32, i32, i32) {
    %c0_i32 = arith.constant 0 : i32
    %c0_i32_0 = arith.constant 0 : i32
    %c0_i32_1 = arith.constant 0 : i32
    return %arg0, %c0_i32, %c0_i32_0 : i32, i32, i32
  }
}

</mosaic_0001>

<sc_bundles>
// kernel: sparse-core-data-format-call.cloned.1.call-start
scs
called_computation_lowered:
.L_overlay_start_0:
0x0: {  	s2 =	sld [smem:$0x3FD9]  }
0x1: {  	s3 =	sld [smem:$0x3FFE];
	_ =	sdelay $0x1  }
0x2: {  	s1 =	srdreg.scid  }
0x3: {  	s0 =	sand.u32 $0x1, s1  }
0x4: {  	s15 =	sshll.u32 s0, $0xA;
	s2 =	sadd.s32 s3, s2  }
0x5: {  	s2 =	sadd.s32 s2, s15  }
0x6: {  	[smem:$0x3FC7] =	sst s2  }
0x7: {  	_ = 	snop  }
0x8: {  	s2 =	sld [smem:$0x3FD0];
	_ =	sdelay $0x2  }
0x9: {  	s16 =	simm.s32 $0xA;
	s4 =	simm.s32 $0x10  }
0xa: {  	[smem:s4], [sflag:s16] =	dma.local [hbm:s2], $0x1  }
0xb: {  	_ =	swait.eq [sflag:s16], $0x1  }
0xc: {  	[sflag:s16] =	ssyncset.done $0x0  }
0xd: {  	[sflag:s16] =	ssyncadd.s32 $0xFFFFFFFF  }
0xe: {  	s17 =	sld [smem:$0x11];
	(tm) =	ssettm $0x1  }
0xf: {  	s18 =	sld [smem:$0x3FFB];
	_ =	sdelay $0x3  }
0x10: {  	_ =	strace s18  }
0x11: {  	s3 =	sld [smem:$0x3FFC];
	_ =	sdelay $0x3  }
0x12: {  	_ =	strace s3  }
0x13: {  	s3 =	sld [smem:$0x3FFD];
	_ =	sdelay $0x3  }
0x14: {  	_ =	strace s3  }
0x15: {  	_ =	strace $0x8FFFFFFF  }
0x16: {  	s19 =	sld [smem:$0x3FDB];
	_ =	sdelay $0x1  }
0x17: {  	s20 =	simm.s32 $_scs_section_size  }
0x18: {  	s5 =	simm.s32 $_size__tile_overlayer_lowered;
	s6 =	simm.s32 $_tile_overlayer_lowered  }
0x19: {  	s23 =	simm.s32 $0x1BFF;
	s22 =	sshll.u32 s6, $0x1;
	s3 =	sadd.s32 s20, s19  }
0x1a: {  	s7 =	simm.s32 $0x0;
	s21 =	sshll.u32 s5, $0x1;
	s5 =	sadd.s32 s22, s3  }
0x1b: {  	[timem:s7], [sflag:s23] =	dma.local [hbm:s5], s21  }
0x1c: {  	_ =	swait.ge [sflag:s23], s21  }
0x1d: {  	s4 =	ssub.s32 $0x0, s21;
	[sflag:s23] =	ssyncset.done $0x0  }
0x1e: {  	[sflag:s23] =	ssyncadd.s32 s4;
	_ =	sdelay $0x1  }
0x1f: {  	s24 =	simm.s32 $0x1B8B  }
0x20: {  	_ =	swait.ge [sflag:s24], $0x1  }
0x21: {  	[sflag:s24] =	ssyncset.done $0x0  }
0x22: {  	s26 =	simm.s32 $0x1B8E;
	s25 =	sld [smem:$0x3FFE];
	[sflag:s24] =	ssyncadd.s32 $0xFFFFFFFF  }
0x23: {  	s27 =	simm.s32 $execute0_lowered;
	[smem:$0x3FD2] =	sst s26  }
0x24: {  	s5 =	sshll.u32 s27, $0x1;
	_ =	strace $0x80000046;
	[dreg:$0x1] =	wrdreg $0xFFFFFFFF  }
0x25: {  	s28 =	simm.s32 $_size_execute0_lowered;
	s3 =	sadd.s32 s3, s5;
	[dreg:$0x0] =	wrdreg $0x0  }
0x26: {  	s5 =	sshll.u32 s28, $0x1;
	[dreg:$0x2] =	wrdreg s3  }
0x27: {  	[dreg:$0x3] =	wrdreg s5  }
0x28: {  	[dreg:$0x4] =	wrdreg $0xC0  }
0x29: {  	_ =	task [dreg:s7], $0x5FFFF  }
0x2a: {  	[dreg:$0x1] =	wrdreg $0xFFFFFFFF  }
0x2b: {  	[dreg:$0x0] =	wrdreg $0x60  }
0x2c: {  	[dreg:$0x2] =	wrdreg s25  }
0x2d: {  	[dreg:$0x3] =	wrdreg s17  }
0x2e: {  	[dreg:$0x4] =	wrdreg $0x9  }
0x2f: {  	_ =	task.clear_ibuf [dreg:s7], $0x5FFFF;
	_ =	strace $0x90000046  }
0x30: {  	s29 =	simm.s32 $0x9;
	_ =	strace $0x80000048  }
0x31: {  	_ =	swait.ge [sflag:s29], $0x1  }
0x32: {  	[sflag:s29] =	ssyncadd.s32 $0xFFFFFFFF  }
0x33: {  	_ =	strace $0x90000048  }
0x34: {  	_ =	sfence  }
0x35: {  	s30 =	sld [smem:$0x0];
	_ =	sdelay $0x2  }
0x36: {  	s31 =	sshll.u32 s1, $0xD;
	s1 =	sshrl.u32 s1, $0x2  }
0x37: {  	s3 =	sand.u32 $0x4000, s31;
	s1 =	sadd.s32 s1, s30  }
0x38: {  	s0 =	sor.u32 s3, s0;
	s1 =	sshll.u32 s1, $0x11  }
0x39: {  	s0 =	sor.u32 s1, s0  }
0x3a: {  	s0 =	sadd.s32 $0x8F2B, s0  }
0x3b: {  	[sflag:s0] =	ssyncadd.remote.s32 $0x1  }
0x3c: {  	_ =	sfence.sel $0xFFFF  }
0x3d: {  	[dreg:$0x0] =	wrdreg $0xFFFFFFFF;
	(pc) =	sbr.abs _section_cstart, $3  }
0x3e: {  	[dreg:$0x1] =	wrdreg $0xFFFFFFFF  }
0x3f: {  	_ =	task.clear_ibuf [dreg:s7], $0x2FFFF;
	_ =	strace $0x9FFFFFFF  }
0x40: {  	(tm) =	ssettm $0x7FFFFFFF  }
0x41: {  	_ =	shalt  }
tec
execute0_lowered:
.L_overlay_start_1:
0x0: {  	(tag) =	ssettag $0x1  }
0x1: {  	s6 =	rddreg [dreg:$0x0]  }
0x2: {  	s0 =	srdreg.scid;
	s3 =	rddreg [dreg:$0x1]  }
0x3: {  	s7 =	simm.s32 $0x2;
	s8 =	simm.s32 $0x0;
	s1 =	sshll.u32 s0, $0x4  }
0x4: {  	s14 =	simm.s32 $0x0;
	s0 =	stileid.u32;
	s1 =	sand.u32 $0x10, s1  }
0x5: {  	s15 =	simm.s32 $0x0;
	s9 =	simm.s32 $0x0;
	s2 =	sor.u32 s0, s1  }
.Ltmp0:
0x6: {  	s11 =	simm.s32 $0x0;
	s4 =	ssub.s32 $0xE7, s2;
	(pc) =	sbr.rel .LBB1_1-.Ltmp0, $4  }
0x7: {  	s10 =	simm.s32 $0x0;
	s1 =	rddreg [dreg:$0x2];
	s5 =	sshrl.u32 s4, $0x5  }
0x8: {  	_ =	strace $0x80000047;
	s4 =	simm.s32 $0x1;
	s5 =	smul.u32 $0xD, s5  }
0x9: {  	s13 =	simm.s32 $0x0;
	s6 =	sadd.s32 $0x800, s6;
	[sflag:s4] =	ssyncpa.u1 $0x0  }
0xa: {  	s12 =	smov.u32 s2;
	[sflag:s7] =	ssyncpa.u1 $0x0;
	s7 =	sadd.s32 $0x1, s5  }
.LBB1_9:
0xb: {  	p0 =	sgt.s32 s9, $0xB7;
	s19 =	smov.u32 s9  }
0xc: {  	s19 =	simm.s32 @!p0 $0xB7  }
0xd: {  	s16 =	sadd.s32 s16, s19  }
0xe: {  	s19 =	sadd.s32 $0xFFFFFF49, s16  }
0xf: {  	s16 =	ssub.s32 $0xC7, s16;
	p0 =	sgt.s32 s19, $0xF  }
0x10: {  	s30 =	smul.u32 $0x6380, s11;
	s16 =	simm.s32 @p0 $0x0  }
0x11: {  	s16 =	smul.u32 s16, s17  }
0x12: {  	s31 =	sshll.u32 s9, $0x7;
	s19 =	sadd.s32 s3, s30  }
0x13: {  	s17 =	sadd.s32 s31, s19;
	s16 =	sand.u32 $0x3FFFFC00, s16  }
0x14: {  	[hbm4b:s17+s8] =	stream.linear.scatter [tilespmem:s18], [sflag:$0x2], s16, $0x38;
	[tilespmem:$0x10000] =	vst v63  }
.LBB1_10:
0x15: {  	p0 =	slt.u32 s13, $0x2  }
0x16: {  	p1 =	sgt.s32 @!p0 s15, $0xC7  }
0x17: {  	s16 =	smov.u32 s15;
	s17 =	sshra.s32 @!p0 s15, $0x1F;
	p1 =	por !p1, p0  }
0x18: {  	s18 =	sshra.s32 @!p0 s14, $0x1F;
	s16 =	simm.s32 @p1 $0xC7;
	p1 =	sgt.s32 @!p0 s14, $0xB7  }
0x19: {  	s15 =	sand.u32 @!p0 s17, s15;
	s17 =	smov.u32 s14;
	p1 =	por !p1, p0  }
0x1a: {  	s14 =	sand.u32 @!p0 s18, s14;
	s15 =	ssub.s32 @!p0 s16, s15;
	s17 =	simm.s32 @p1 $0xB7  }
0x1b: {  	s15 =	sadd.s32 @!p0 $0xFFFFFF39, s15;
	s14 =	ssub.s32 @!p0 s17, s14  }
0x1c: {  	s18 =	smov.u32 s12;
	p1 =	sgt.s32 @!p0 s15, $0x0;
	s16 =	sadd.s32 @!p0 $0xFFFFFF49, s14  }
0x1d: {  	s15 =	sshll.u32 @!p0 s15, $0xA;
	s14 =	ssub.s32 @!p0 $0xC7, s14;
	p2 =	sgt.s32 @!p0 s16, $0xF  }
0x1e: {  	s15 =	ssub.s32 @!p0 $0x400, s15;
	p1 =	por !p1, p0;
	p2 =	por !p2, p0  }
0x1f: {  	s15 =	simm.s32 @!p1 $0x0;
	s16 =	sadd.s32 $0x10, s10;
	s14 =	simm.s32 @!p2 $0x0  }
0x20: {  	p1 =	sgt.s32 s16, $0xC6;
	s14 =	smul.u32 @!p0 s14, s15;
	s15 =	sadd.s32 $0x20, s12  }
0x21: {  	s18 =	smov.u32 @p1 s15  }
0x22: {  	s16 =	simm.s32 @p1 $0x0;
	p1 =	sgt.s32 s18, $0xC7  }
0x23: {  	s18 =	smov.u32 @p1 s2;
	p1 =	sne.s32 s13, s7  }
.Ltmp1:
0x24: {  	s17 =	simm.s32 @!p0 $0x2;
	(pc) =	sbr.rel @!p1 .LBB1_11-.Ltmp1, $4  }
0x25: {  	s15 =	smov.u32 s11;
	s11 =	smov.u32 s12;
	s14 =	sand.u32 @!p0 $0x3FFFFC00, s14  }
0x26: {  	_ =	swait.ge @!p0 [sflag:s17], s14;
	s19 =	ssub.s32 @!p0 $0x0, s14;
	s14 =	smov.u32 s9  }
0x27: {  	s13 =	sadd.s32 $0x1, s13;
	s9 =	smov.u32 s10;
	[sflag:s17] =	ssyncset.done @!p0 $0x0  }
0x28: {  	s10 =	smov.u32 s16;
	s12 =	smov.u32 s18;
	[sflag:s17] =	ssyncadd.s32 @!p0 s19  }
.LBB1_1:
0x29: {  	p0 =	sge.u32 s13, s5;
	s16 =	smov.u32 s12  }
0x2a: {  	s19 =	smov.u32 s10;
	p1 =	sgt.s32 @!p0 s12, $0xC7;
	s17 =	sand.u32 @!p0 $0x3FFFF8, s10  }
0x2b: {  	s18 =	sshra.s32 @!p0 s12, $0x1F;
	s20 =	sshra.s32 @!p0 s10, $0x1F;
	p1 =	por !p1, p0  }
0x2c: {  	s18 =	sand.u32 @!p0 s18, s12;
	s16 =	simm.s32 @p1 $0xC7;
	p1 =	sgt.s32 @!p0 s10, $0xB8  }
0x2d: {  	p1 =	por !p1, p0;
	s16 =	ssub.s32 @!p0 s16, s18;
	s18 =	smulhi.u32 @!p0 $0x147AE15, s17  }
0x2e: {  	s31 =	sadd.s32 $0xFFFFFFFF, s13;
	s20 =	sand.u32 @!p0 s20, s10;
	s19 =	simm.s32 @p1 $0xB8  }
0x2f: {  	s16 =	sadd.s32 @!p0 $0xFFFFFF39, s16;
	s19 =	ssub.s32 @!p0 s19, s20;
	s18 =	smul.u32 @!p0 $0xC8, s18  }
0x30: {  	p1 =	sgt.s32 @!p0 s16, $0x0;
	s16 =	sshll.u32 @!p0 s16, $0xA;
	s20 =	sadd.s32 @!p0 $0xFFFFFF48, s19  }
0x31: {  	s19 =	ssub.s32 @!p0 $0xC8, s19;
	s16 =	ssub.s32 @!p0 $0x400, s16;
	p2 =	sgt.s32 @!p0 s20, $0xF  }
0x32: {  	p1 =	por !p1, p0;
	s17 =	ssub.s32 @!p0 s17, s18;
	p2 =	por !p2, p0  }
0x33: {  	s16 =	simm.s32 @!p1 $0x0;
	s18 =	smul.u32 @!p0 $0x6400, s12;
	s19 =	simm.s32 @!p2 $0x0  }
0x34: {  	s20 =	sxor.u32 @!p0 $0xFFFFFFFF, s13;
	s16 =	smul.u32 @!p0 s19, s16;
	s19 =	sshll.u32 @!p0 s10, $0x4  }
0x35: {  	s20 =	sshll.u32 @!p0 s20, $0xE;
	s18 =	sadd.s32 @!p0 s6, s18;
	s19 =	sand.u32 @!p0 $0x70, s19  }
0x36: {  	s17 =	sshll.u32 @!p0 s17, $0x7;
	s20 =	sand.u32 @!p0 $0x4000, s20;
	s18 =	sadd.s32 @!p0 s19, s18  }
0x37: {  	s16 =	sand.u32 @!p0 $0x3FFFFC00, s16;
	s17 =	sadd.s32 @!p0 s17, s18;
	s18 =	simm.s32 @!p0 $0x0  }
0x38: {  	[tilespmem:s20], [sflag:$0x1] =	stream.linear.gather @!p0 [hbm4b:s17+s18], s16, $0x38;
	[tilespmem:$0x10000] =	vst v63  }
0x39: {  	p0 =	sge.u32 s31, s5  }
.Ltmp2:
0x3a: {  	_ = 	snop;
	(pc) =	sbr.rel @p0 .LBB1_10-.Ltmp2, $1  }
0x3b: {  	_ =	sdelay $0x3  }
0x3c: {  	p0 =	sgt.s32 s11, $0xC7;
	s16 =	smov.u32 s11;
	s17 =	sshra.s32 s11, $0x1F  }
0x3d: {  	s18 =	ssub.s32 $0x0, s9;
	s16 =	simm.s32 @!p0 $0xC7;
	s17 =	sand.u32 s17, s11  }
0x3e: {  	s19 =	sshra.s32 s9, $0x1F;
	s20 =	smov.u32 s9;
	s17 =	ssub.s32 s16, s17  }
0x3f: {  	p0 =	sgt.s32 s9, $0xB8;
	s16 =	sand.u32 s18, s19;
	s17 =	sadd.s32 $0xFFFFFF39, s17  }
0x40: {  	s20 =	simm.s32 @!p0 $0xB8;
	p0 =	sgt.s32 s17, $0x0;
	s17 =	sshll.u32 s17, $0xA  }
0x41: {  	s19 =	sadd.s32 $0x1, s11;
	s18 =	sadd.s32 s16, s20;
	s17 =	ssub.s32 $0x400, s17  }
0x42: {  	s20 =	sadd.s32 $0x10, s9;
	s17 =	simm.s32 @p0 $0x0;
	p0 =	slt.s32 s19, $0xC8  }
0x43: {  	s30 =	sadd.s32 $0xFFFFFF48, s18;
	s19 =	simm.s32 @!p0 $0xC8;
	p0 =	slt.s32 s20, $0xC7  }
0x44: {  	s18 =	ssub.s32 $0xC8, s18;
	s19 =	ssub.s32 s19, s11;
	s20 =	simm.s32 @!p0 $0xC7  }
0x45: {  	p1 =	sgt.s32 s30, $0xF;
	s20 =	ssub.s32 s20, s9;
	p0 =	slt.s32 s19, $0x1  }
0x46: {  	s18 =	simm.s32 @p1 $0x0;
	p1 =	slt.s32 @!p0 s20, $0x1  }
0x47: {  	s18 =	smul.u32 s18, s17;
	p0 =	por p0, p1  }
.Ltmp3:
0x48: {  	_ = 	snop;
	(pc) =	sbr.rel @p0 .LBB1_9-.Ltmp3, $4  }
0x49: {  	s18 =	sand.u32 $0x3FFFFC00, s18  }
0x4a: {  	s31 =	sshll.u32 s13, $0xE;
	_ =	swait.ge [sflag:s4], s18  }
0x4b: {  	s21 =	sand.u32 $0x4000, s31;
	s22 =	ssub.s32 $0x0, s18;
	[sflag:s4] =	ssyncset.done $0x0  }
0x4c: {  	s18 =	sor.u32 $0x8000, s21;
	[sflag:s4] =	ssyncadd.s32 s22  }
0x4d: {  	s22 =	simm.s32 $0x0  }
.LBB1_4:
0x4e: {  	s25 =	sshll.u32 s22, $0xE  }
0x4f: {  	v0 =	vmov s25  }
0x50: {  	s23 =	sadd.s32 s25, s21;
	s24 =	sadd.s32 s25, s18;
	s25 =	simm.s32 $0x0  }
.LBB1_5:
0x51: {  	s26 =	sshll.u32 s25, $0xA  }
0x52: {  	s28 =	sshll.u32 s25, $0x7;
	s27 =	sand.u32 $0x2000, s26  }
0x53: {  	s28 =	sand.u32 $0x380, s28;
	s29 =	sadd.s32 s27, s23  }
0x54: {  	s29 =	sadd.s32 s28, s29  }
0x55: {  	v1 =	vmov s29  }
0x56: {  	s30 =	sadd.s32 s26, s24;
	s31 =	sadd.s32 s27, s21  }
0x57: {  	p0 =	por $0x1, $0x1;
	s27 =	simm.s32 $0x0;
	v2 =	vmov s30;
	s26 =	sadd.s32 s28, s31  }
.LBB1_6:
0x58: {  	s28 =	sshll.u32 s27, $0x3  }
0x59: {  	s28 =	sand.u32 $0x3FFFFFF8, s28  }
0x5a: {  	v3 =	vld.idx.msk [tilespmem:v1+s28+$0x0 ss:$0x1], $0xffff;
	s28 =	sadd.s32 s28, s26  }
0x5b: {  	v4 =	vld.idx.msk [tilespmem:v0+s28+$0x10 ss:$0x1], $0xffff  }
0x5c: {  	v5 =	vld.idx.msk [tilespmem:v0+s28+$0x20 ss:$0x1], $0xffff  }
0x5d: {  	v6 =	vld.idx.msk [tilespmem:v0+s28+$0x30 ss:$0x1], $0xffff  }
0x5e: {  	s29 =	sshrl.u32 s27, $0x7;
	v7 =	vld.idx.msk [tilespmem:v0+s28+$0x40 ss:$0x1], $0xffff  }
0x5f: {  	s30 =	sor.u32 $0x1, s29;
	v44 =	vld.idx.msk [tilespmem:v0+s28+$0x60 ss:$0x1], $0xffff;
	[tilespmem:v2+s27+$0x0 ss:$0x1] =	vst.idx.msk $0xffff, v3  }
0x60: {  	s31 =	sshll.u32 s30, $0xA;
	v3 =	vld.idx.msk [tilespmem:v0+s28+$0x50 ss:$0x1], $0xffff;
	[tilespmem:v2+s27+$0x10 ss:$0x1] =	vst.idx.msk $0xffff, v4  }
0x61: {  	v45 =	vld.idx.msk [tilespmem:v0+s28+$0x70 ss:$0x1], $0xffff;
	s31 =	sand.u32 $0x3FFFFC00, s31;
	[tilespmem:v2+s27+$0x20 ss:$0x1] =	vst.idx.msk $0xffff, v5  }
0x62: {  	v46 =	vld.idx.msk [tilespmem:v1+s31+$0x0 ss:$0x1], $0xffff;
	s28 =	sadd.s32 s31, s26;
	[tilespmem:v2+s27+$0x30 ss:$0x1] =	vst.idx.msk $0xffff, v6  }
0x63: {  	[tilespmem:v2+s27+$0x40 ss:$0x1] =	vst.idx.msk $0xffff, v7;
	v47 =	vld.idx.msk [tilespmem:v0+s28+$0x10 ss:$0x1], $0xffff  }
0x64: {  	[tilespmem:v2+s27+$0x60 ss:$0x1] =	vst.idx.msk $0xffff, v44;
	v48 =	vld.idx.msk [tilespmem:v0+s28+$0x30 ss:$0x1], $0xffff  }
0x65: {  	s30 =	sshll.u32 s30, $0x7;
	[tilespmem:v2+s27+$0x50 ss:$0x1] =	vst.idx.msk $0xffff, v3;
	v3 =	vld.idx.msk [tilespmem:v0+s28+$0x20 ss:$0x1], $0xffff  }
0x66: {  	[tilespmem:v2+s27+$0x70 ss:$0x1] =	vst.idx.msk $0xffff, v45;
	v49 =	vld.idx.msk [tilespmem:v0+s28+$0x40 ss:$0x1], $0xffff;
	s27 =	sand.u32 $0x3FFFFF80, s30  }
0x67: {  	v50 =	vld.idx.msk [tilespmem:v0+s28+$0x50 ss:$0x1], $0xffff;
	s30 =	sor.u32 $0x2, s29;
	[tilespmem:v2+s27+$0x0 ss:$0x1] =	vst.idx.msk $0xffff, v46  }
0x68: {  	v51 =	vld.idx.msk [tilespmem:v0+s28+$0x60 ss:$0x1], $0xffff;
	[tilespmem:v2+s27+$0x10 ss:$0x1] =	vst.idx.msk $0xffff, v47;
	s31 =	sshll.u32 s30, $0xA  }
0x69: {  	v8 =	vld.idx.msk [tilespmem:v0+s28+$0x70 ss:$0x1], $0xffff;
	[tilespmem:v2+s27+$0x30 ss:$0x1] =	vst.idx.msk $0xffff, v48;
	s31 =	sand.u32 $0x3FFFFC00, s31  }
0x6a: {  	s28 =	sadd.s32 s31, s26;
	[tilespmem:v2+s27+$0x20 ss:$0x1] =	vst.idx.msk $0xffff, v3;
	v3 =	vld.idx.msk [tilespmem:v1+s31+$0x0 ss:$0x1], $0xffff  }
0x6b: {  	[tilespmem:v2+s27+$0x40 ss:$0x1] =	vst.idx.msk $0xffff, v49;
	v52 =	vld.idx.msk [tilespmem:v0+s28+$0x10 ss:$0x1], $0xffff  }
0x6c: {  	[tilespmem:v2+s27+$0x50 ss:$0x1] =	vst.idx.msk $0xffff, v50;
	v53 =	vld.idx.msk [tilespmem:v0+s28+$0x20 ss:$0x1], $0xffff  }
0x6d: {  	[tilespmem:v2+s27+$0x60 ss:$0x1] =	vst.idx.msk $0xffff, v51;
	s30 =	sshll.u32 s30, $0x7;
	v54 =	vld.idx.msk [tilespmem:v0+s28+$0x30 ss:$0x1], $0xffff  }
0x6e: {  	[tilespmem:v2+s27+$0x70 ss:$0x1] =	vst.idx.msk $0xffff, v8;
	v55 =	vld.idx.msk [tilespmem:v0+s28+$0x40 ss:$0x1], $0xffff;
	s27 =	sand.u32 $0x3FFFFF80, s30  }
0x6f: {  	s29 =	sor.u32 $0x3, s29;
	[tilespmem:v2+s27+$0x0 ss:$0x1] =	vst.idx.msk $0xffff, v3;
	v3 =	vld.idx.msk [tilespmem:v0+s28+$0x50 ss:$0x1], $0xffff  }
0x70: {  	v56 =	vld.idx.msk [tilespmem:v0+s28+$0x60 ss:$0x1], $0xffff;
	s31 =	sshll.u32 s29, $0xA;
	[tilespmem:v2+s27+$0x10 ss:$0x1] =	vst.idx.msk $0xffff, v52  }
0x71: {  	v57 =	vld.idx.msk [tilespmem:v0+s28+$0x70 ss:$0x1], $0xffff;
	s31 =	sand.u32 $0x3FFFFC00, s31;
	[tilespmem:v2+s27+$0x20 ss:$0x1] =	vst.idx.msk $0xffff, v53  }
0x72: {  	v58 =	vld.idx.msk [tilespmem:v1+s31+$0x0 ss:$0x1], $0xffff;
	[tilespmem:v2+s27+$0x30 ss:$0x1] =	vst.idx.msk $0xffff, v54;
	s28 =	sadd.s32 s31, s26  }
0x73: {  	[tilespmem:v2+s27+$0x40 ss:$0x1] =	vst.idx.msk $0xffff, v55;
	v59 =	vld.idx.msk [tilespmem:v0+s28+$0x10 ss:$0x1], $0xffff  }
0x74: {  	[tilespmem:v2+s27+$0x50 ss:$0x1] =	vst.idx.msk $0xffff, v3;
	v3 =	vld.idx.msk [tilespmem:v0+s28+$0x20 ss:$0x1], $0xffff  }
0x75: {  	s29 =	sshll.u32 s29, $0x7;
	[tilespmem:v2+s27+$0x60 ss:$0x1] =	vst.idx.msk $0xffff, v56;
	v60 =	vld.idx.msk [tilespmem:v0+s28+$0x30 ss:$0x1], $0xffff  }
0x76: {  	[tilespmem:v2+s27+$0x70 ss:$0x1] =	vst.idx.msk $0xffff, v57;
	v61 =	vld.idx.msk [tilespmem:v0+s28+$0x40 ss:$0x1], $0xffff;
	s27 =	sand.u32 $0x3FFFFF80, s29  }
0x77: {  	v62 =	vld.idx.msk [tilespmem:v0+s28+$0x50 ss:$0x1], $0xffff;
	[tilespmem:v2+s27+$0x0 ss:$0x1] =	vst.idx.msk $0xffff, v58  }
0x78: {  	v63 =	vld.idx.msk [tilespmem:v0+s28+$0x60 ss:$0x1], $0xffff;
	[tilespmem:v2+s27+$0x10 ss:$0x1] =	vst.idx.msk $0xffff, v59  }
0x79: {  	p1 =	por p0, p0;
	[tilespmem:v2+s27+$0x20 ss:$0x1] =	vst.idx.msk $0xffff, v3;
	v3 =	vld.idx.msk [tilespmem:v0+s28+$0x70 ss:$0x1], $0xffff  }
.Ltmp4:
0x7a: {  	[tilespmem:v2+s27+$0x30 ss:$0x1] =	vst.idx.msk $0xffff, v60;
	(pc) =	sbr.rel @p1 .LBB1_6-.Ltmp4, $4  }
0x7b: {  	[tilespmem:v2+s27+$0x40 ss:$0x1] =	vst.idx.msk $0xffff, v61  }
0x7c: {  	[tilespmem:v2+s27+$0x50 ss:$0x1] =	vst.idx.msk $0xffff, v62  }
0x7d: {  	[tilespmem:v2+s27+$0x60 ss:$0x1] =	vst.idx.msk $0xffff, v63  }
0x7e: {  	p0 =	por $0x0, $0x0;
	[tilespmem:v2+s27+$0x70 ss:$0x1] =	vst.idx.msk $0xffff, v3;
	s27 =	simm.s32 $0x200  }
0x7f: {  	s25 =	sadd.s32 $0x1, s25  }
0x80: {  	p0 =	sne.s32 s25, s20  }
.Ltmp5:
0x81: {  	_ = 	snop;
	(pc) =	sbr.rel @p0 .LBB1_5-.Ltmp5, $1  }
0x82: {  	_ =	sdelay $0x3  }
0x83: {  	s22 =	sadd.s32 $0x1, s22  }
0x84: {  	p0 =	sne.s32 s22, s19  }
.Ltmp6:
0x85: {  	_ = 	snop;
	(pc) =	sbr.rel @p0 .LBB1_4-.Ltmp6, $4  }
.Ltmp7:
0x86: {  	_ = 	snop;
	(pc) =	sbr.rel @!p0 .LBB1_9-.Ltmp7, $4  }
0x87: {  	_ = 	snop  }
0x88: {  	_ = 	snop  }
0x89: {  	_ = 	snop  }
0x8a: {  	_ = 	snop  }
.LBB1_11:
0x8b: {  	_ =	sfence.sel $0x180000  }
0x8c: {  	s2 =	simm.s32 $0x1;
	[bflag:$0x0] =	sbarrier.arrive $0xFFFF  }
0x8d: {  	s31 =	simm.s32 $0x2;
	[sflag:s2] =	ssyncpa.u1 $0x1  }
0x8e: {  	[sflag:s31] =	ssyncpa.u1 $0x1  }
0x8f: {  	p0 =	sne.s32 s0, $0x0;
	_ =	strace $0x90000047  }
0x90: {  	s0 =	sadd.s32 @!p0 $0x100000, s1;
	[bflag:$0x2] =	sbarrier.arrive $0xFFFF  }
0x91: {  	[sflag:s0] =	ssyncadd.tile.s32 @!p0 $0x1;
	_ =	shalt  }
.Lfunc_end1:
_tile_overlayer_lowered:
.L_overlay_start_2:
0x92: {  	(tag) =	ssettag $0x2  }
0x93: {  	s0 =	rddreg [dreg:$0x0];
	s2 =	stileid.u32  }
0x94: {  	s1 =	rddreg [dreg:$0x1];
	p0 =	sne.s32 s2, $0x0  }
0x95: {  	s3 =	rddreg [dreg:$0x2];
	[bflag:$0x3] =	sbarrier.arrive $0xFFFF;
	s2 =	simm.s32 @!p0 $0x1C01  }
0x96: {  	[timem:s3], [sflag:s2] =	dma.local @!p0 [hbm:s0], s1  }
0x97: {  	s0 =	simm.s32 @!p0 $0x1  }
0x98: {  	_ =	swait.ge @!p0 [sflag:s0], s1  }
0x99: {  	s1 =	ssub.s32 @!p0 $0x0, s1;
	[sflag:s0] =	ssyncset.done @!p0 $0x0  }
0x9a: {  	[sflag:s0] =	ssyncadd.s32 @!p0 s1  }
0x9b: {  	[bflag:$0x3] =	sbarrier.arrive $0xFFFF  }
0x9c: {  	_ =	shalt  }

</sc_bundles>
